<compile_context>
chip_gen: v7x
topology: tpu7x:2x2x1
jax: 0.10.2.dev20260603
libtpu: 0.0.44.dev20260713+nightly
codegen_flags: <defaults>
</compile_context>

<pallas_src>
import numpy as np
import jax
import jax.numpy as jnp
from jax import lax
from jax.experimental import pallas as pl
from jax.experimental.pallas import tpu as pltpu
from jax.experimental.pallas import tpu_sc as plsc

_THRE1 = 0.1
_NJ = 25
_H = 512
_W = 512
_HW = _H * _W
_R = 12
_TOPK = 64
_CAP = 8192
_WIN = 16384
_NC = 2
_NS = 16


def _gauss_taps_bf16_as_f32():
    import ml_dtypes
    x = np.arange(-_R, _R + 1)
    phi = np.exp(-0.5 * (x * x) / 9.0)
    k = (phi / phi.sum()).astype(np.float32)
    return k.astype(ml_dtypes.bfloat16).astype(np.float32)


_TAPS = _gauss_taps_bf16_as_f32()


_RB = 8


_NC_IN = 26


def _in_chw_body(x_ref, o_ref):
    blk = x_ref[...][:, :_NJ]
    t = jnp.transpose(blk, (1, 0))
    o_ref[...] = t.reshape(_NJ, _RB, _W)


def _to_chw_input(heatmap):
    flat = heatmap.reshape(_HW, _NC_IN)
    nb = _H // _RB
    return pl.pallas_call(
        _in_chw_body,
        grid=(nb,),
        in_specs=[pl.BlockSpec((_RB * _W, _NC_IN), lambda i: (i, 0))],
        out_specs=pl.BlockSpec((_NJ, _RB, _W), lambda i: (0, i, 0)),
        out_shape=jax.ShapeDtypeStruct((_NJ, _H, _W), jnp.float32),
    )(flat)


def _q(x):
    return x.astype(jnp.bfloat16).astype(jnp.float32)


def _smooth_nms_body(x_ref, o_ref):
    x = x_ref[0]

    top = [x[i:i + 1, :] for i in range(_R, 0, -1)]
    bot = [x[i:i + 1, :] for i in range(_H - 2, _H - _R - 2, -1)]
    xr = jnp.concatenate(top + [x] + bot, axis=0)
    lf = [xr[:, i:i + 1] for i in range(_R, 0, -1)]
    rt = [xr[:, i:i + 1] for i in range(_W - 2, _W - _R - 2, -1)]
    xp = _q(jnp.concatenate(lf + [xr] + rt, axis=1))

    y = _TAPS[0] * xp[0:_H, :]
    for t in range(1, 2 * _R + 1):
        y = y + _TAPS[t] * xp[t:t + _H, :]
    yb = _q(y)

    z = _TAPS[0] * yb[:, 0:_W]
    for t in range(1, 2 * _R + 1):
        z = z + _TAPS[t] * yb[:, t:t + _W]

    zrow = jnp.zeros((1, _W), jnp.float32)
    zcol = jnp.zeros((_H, 1), jnp.float32)
    up = jnp.concatenate([zrow, z[:-1, :]], axis=0)
    dn = jnp.concatenate([z[1:, :], zrow], axis=0)
    lf2 = jnp.concatenate([zcol, z[:, :-1]], axis=1)
    rt2 = jnp.concatenate([z[:, 1:], zcol], axis=1)
    mask = (z >= up) & (z >= dn) & (z >= lf2) & (z >= rt2) & (z > _THRE1)
    o_ref[0] = jnp.where(mask, x, 0.0)


def _peak_scores_chw(x_chw):
    return pl.pallas_call(
        _smooth_nms_body,
        grid=(_NJ,),
        in_specs=[pl.BlockSpec((1, _H, _W), lambda c: (c, 0, 0))],
        out_specs=pl.BlockSpec((1, _H, _W), lambda c: (c, 0, 0)),
        out_shape=jax.ShapeDtypeStruct((_NJ, _H, _W), jnp.float32),
    )(x_chw)


def _compact_body(ps_hbm, out_v_hbm, out_i_hbm, win_v, cv, ci):
    wid = lax.axis_index("s") * _NC + lax.axis_index("c")

    @pl.when(wid < _NJ)
    def _():
        neg1 = jnp.full((16,), -1.0, jnp.float32)

        def memset(j, _):
            cv[pl.ds(j * 16, 16)] = neg1
            return 0

        lax.fori_loop(0, (_CAP + 16) // 16, memset, 0)

        lane = lax.iota(jnp.int32, 16)
        base = wid * _HW

        def window(w, cnt):
            pltpu.sync_copy(ps_hbm.at[pl.ds(base + w * _WIN, _WIN)], win_v)

            def scan(j, cnt):
                v = win_v[pl.ds(j * 16, 16)]
                g = w * _WIN + j * 16 + lane
                m = (v > 0.0) | ((g < _TOPK) & (v == 0.0))
                off = jnp.minimum(cnt, _CAP)
                plsc.store_compressed(cv.at[pl.ds(off, 16)], v, mask=m)
                plsc.store_compressed(ci.at[pl.ds(off, 16)], g, mask=m)
                return cnt + jnp.sum(m.astype(jnp.int32))

            return lax.fori_loop(0, _WIN // 16, scan, cnt)

        lax.fori_loop(0, _HW // _WIN, window, jnp.int32(0))
        pltpu.sync_copy(cv.at[pl.ds(0, _CAP)], out_v_hbm.at[wid])
        pltpu.sync_copy(ci.at[pl.ds(0, _CAP)], out_i_hbm.at[wid])


def _compact(ps_flat):
    return pl.kernel(
        _compact_body,
        out_type=[
            jax.ShapeDtypeStruct((_NJ, _CAP), jnp.float32),
            jax.ShapeDtypeStruct((_NJ, _CAP), jnp.int32),
        ],
        mesh=plsc.VectorSubcoreMesh(
            core_axis_name="c", subcore_axis_name="s",
            num_cores=_NC, num_subcores=_NS),
        compiler_params=pltpu.CompilerParams(needs_layout_passes=False),
        scratch_types=[
            pltpu.VMEM((_WIN,), jnp.float32),
            pltpu.VMEM((_CAP + 16,), jnp.float32),
            pltpu.VMEM((_CAP + 16,), jnp.int32),
        ],
    )(ps_flat)


def _select_body(cv_ref, ci_ref, tv_ref, ti_ref, v_scr):
    v_scr[...] = cv_ref[...]
    idx = ci_ref[...]

    def step(k, _):
        v = v_scr[...]
        m = jnp.max(v, axis=1)
        eq = v == m[:, None]
        sel = jnp.min(jnp.where(eq, idx, jnp.int32(2**30)), axis=1)
        tv_ref[pl.ds(k, 1), :] = m[None, :]
        ti_ref[pl.ds(k, 1), :] = sel[None, :]
        v_scr[...] = jnp.where(eq & (idx == sel[:, None]), -1.0, v)
        return 0

    lax.fori_loop(0, _TOPK, step, 0)


def _select_topk(cand_v, cand_i):
    return pl.pallas_call(
        _select_body,
        in_specs=[
            pl.BlockSpec((_NJ, _CAP), lambda: (0, 0)),
            pl.BlockSpec((_NJ, _CAP), lambda: (0, 0)),
        ],
        out_specs=[
            pl.BlockSpec((_TOPK, _NJ), lambda: (0, 0)),
            pl.BlockSpec((_TOPK, _NJ), lambda: (0, 0)),
        ],
        out_shape=[
            jax.ShapeDtypeStruct((_TOPK, _NJ), jnp.float32),
            jax.ShapeDtypeStruct((_TOPK, _NJ), jnp.int32),
        ],
        scratch_shapes=[pltpu.VMEM((_NJ, _CAP), jnp.float32)],
    )(cand_v, cand_i)


def _gaussian_smooth_chw(x_chw):
    radius = _R
    x = np.arange(-radius, radius + 1)
    phi = np.exp(-0.5 * (x * x) / 9.0)
    k = jnp.asarray((phi / phi.sum()).astype(np.float32))
    t = x_chw[:, None, :, :]
    t = jnp.pad(t, ((0, 0), (0, 0), (radius, radius), (radius, radius)),
                mode='reflect')
    kh = k.reshape(1, 1, -1, 1)
    kw = k.reshape(1, 1, 1, -1)
    t = jax.lax.conv_general_dilated(t, kh, (1, 1), 'VALID')
    t = jax.lax.conv_general_dilated(t, kw, (1, 1), 'VALID')
    return t[:, 0, :, :]


def _nms_body(sm_ref, x_ref, o_ref, o2_ref):
    z = sm_ref[0]
    x = x_ref[0]
    zrow = jnp.zeros((1, _W), jnp.float32)
    zcol = jnp.zeros((_H, 1), jnp.float32)
    up = jnp.concatenate([zrow, z[:-1, :]], axis=0)
    dn = jnp.concatenate([z[1:, :], zrow], axis=0)
    lf2 = jnp.concatenate([zcol, z[:, :-1]], axis=1)
    rt2 = jnp.concatenate([z[:, 1:], zcol], axis=1)
    mask = (z >= up) & (z >= dn) & (z >= lf2) & (z >= rt2) & (z > _THRE1)
    ps = jnp.where(mask, x, 0.0)
    o_ref[0] = ps
    o2_ref[0] = ps.reshape(_HW // 128, 128)


def _nms_only(sm_chw, x_chw):
    return pl.pallas_call(
        _nms_body,
        grid=(_NJ,),
        in_specs=[pl.BlockSpec((1, _H, _W), lambda c: (c, 0, 0)),
                  pl.BlockSpec((1, _H, _W), lambda c: (c, 0, 0))],
        out_specs=[pl.BlockSpec((1, _H, _W), lambda c: (c, 0, 0)),
                   pl.BlockSpec((1, _HW // 128, 128), lambda c: (c, 0, 0))],
        out_shape=[jax.ShapeDtypeStruct((_NJ, _H, _W), jnp.float32),
                   jax.ShapeDtypeStruct((_NJ, _HW // 128, 128), jnp.float32)],
    )(sm_chw, x_chw)


def _to_hwc_body(p_ref, o_ref):
    blk = p_ref[...]
    t = jnp.transpose(blk.reshape(_NJ, _RB * _W), (1, 0))
    o_ref[...] = t


def _to_hwc(ps_chw):
    nb = _H // _RB
    out = pl.pallas_call(
        _to_hwc_body,
        grid=(nb,),
        in_specs=[pl.BlockSpec((_NJ, _RB, _W), lambda i: (0, i, 0))],
        out_specs=pl.BlockSpec((_RB * _W, _NJ), lambda i: (i, 0)),
        out_shape=jax.ShapeDtypeStruct((_HW, _NJ), jnp.float32),
    )(ps_chw)
    return out.reshape(_H, _W, _NJ)


def kernel(heatmap_avg):
    x_chw = _to_chw_input(heatmap_avg)
    sm_chw = _gaussian_smooth_chw(x_chw)
    ps_chw, ps_lin = _nms_only(sm_chw, x_chw)
    peak_scores = _to_hwc(ps_chw)
    cand_v, cand_i = _compact(ps_lin.reshape(_NJ * _HW))
    tv_t, ti_t = _select_topk(cand_v, cand_i)
    return peak_scores, tv_t.T, ti_t.T

# --- scband reference (transcript-rebuilt; emitter-appended) ---
"""Pipeline reference for scband-sign-pose-74680891343463 (READ-ONLY COPY).

The authoritative reference and input builder live on the scoring server;
editing this copy changes nothing except your own understanding.
"""

import jax, jax.numpy as jnp
import numpy as np

THRE1 = 0.1
NJOINT = 26
SIGMA = 3.0
TOPK = 64


def _gaussian_kernel1d(sigma, radius):
    x = np.arange(-radius, radius + 1)
    phi = np.exp(-0.5 * (x * x) / (sigma * sigma))
    return (phi / phi.sum()).astype(np.float32)


def _gaussian_filter(img, sigma):
    # img: [H, W, C]; separable gaussian, reflect padding (matches scipy default mode)
    radius = int(4.0 * sigma + 0.5)
    k = jnp.asarray(_gaussian_kernel1d(sigma, radius))
    x = jnp.transpose(img, (2, 0, 1))[:, None, :, :]  # [C,1,H,W]
    x = jnp.pad(x, ((0, 0), (0, 0), (radius, radius), (radius, radius)), mode='reflect')
    kh = k.reshape(1, 1, -1, 1)
    kw = k.reshape(1, 1, 1, -1)
    x = jax.lax.conv_general_dilated(x, kh, (1, 1), 'VALID')
    x = jax.lax.conv_general_dilated(x, kw, (1, 1), 'VALID')
    return jnp.transpose(x[:, 0, :, :], (1, 2, 0))


def setup_inputs(seed: int = 0) -> dict:
    key = jax.random.key(seed)
    heatmap_avg = jax.random.uniform(key, (512, 512, 26), dtype=jnp.float32)
    return {"heatmap_avg": heatmap_avg}


def reference(heatmap_avg):
    # Faithful JAX translation of the peak-detection (heatmap NMS) stage of
    # sign_pose.call_bodypose: gaussian smoothing, 4-neighbour local-maximum
    # suppression, thresholding, and per-part top-k peak extraction.
    maps = heatmap_avg[:, :, :NJOINT - 1]  # loop over range(njoint - 1)
    sm = _gaussian_filter(maps, SIGMA)
    zero_row = jnp.zeros_like(sm[:1])
    map_left = jnp.concatenate([zero_row, sm[:-1]], axis=0)
    map_right = jnp.concatenate([sm[1:], zero_row], axis=0)
    zero_col = jnp.zeros_like(sm[:, :1])
    map_up = jnp.concatenate([zero_col, sm[:, :-1]], axis=1)
    map_down = jnp.concatenate([sm[:, 1:], zero_col], axis=1)
    peaks_binary = ((sm >= map_left) & (sm >= map_right) &
                    (sm >= map_up) & (sm >= map_down) & (sm > THRE1))
    # scores come from the original (unsmoothed) map, as in the torch code
    peak_scores = jnp.where(peaks_binary, maps, 0.0)
    flat = jnp.transpose(peak_scores.reshape(-1, NJOINT - 1))  # [25, H*W]
    topv, topi = jax.lax.top_k(flat, TOPK)
    return peak_scores, topv, topi

if __name__ == "__main__":
    import jax
    _d = setup_inputs()
    print(jax.jit(kernel)(*tuple(_d.values())))

</pallas_src>

<mosaic_0001>
#map = affine_map<(d0, d1) -> (0)>
#map1 = affine_map<(d0, d1) -> (0, 0)>
module attributes {stable_mosaic.version = 14 : i64} {
  func.func @_compact_body(%arg0: i32, %arg1: i32, %arg2: memref<6553600xf32, #tpu.memory_space<hbm>>, %arg3: memref<25x8192xf32, #tpu.memory_space<hbm>>, %arg4: memref<25x8192xi32, #tpu.memory_space<hbm>>, %arg5: memref<16384xf32, #tpu.memory_space<vmem>>, %arg6: memref<8208xf32, #tpu.memory_space<vmem>>, %arg7: memref<8208xi32, #tpu.memory_space<vmem>>) attributes {dimension_semantics = [#tpu.dimension_semantics<core_parallel>, #tpu.dimension_semantics<subcore_parallel>], iteration_bounds = array<i64: 2, 16>, scalar_prefetch = 0 : i64, scratch_operands = 3 : i64, tpu.core_type = #tpu.core_type<sc_vector_subcore>, window_params = [{transform_indices = #map}, {transform_indices = #map1}, {transform_indices = #map1}]} {
    %mul3A = arith.constant 2 : i32
    %mul3A_0 = arith.muli %arg1, %mul3A : i32
    %add3A = arith.addi %mul3A_0, %arg0 : i32
    %lt3A = arith.constant 25 : i32
    %lt3A_1 = arith.cmpi slt, %add3A, %lt3A : i32
    %convert_element_type3A = arith.extui %lt3A_1 : i1 to i32
    %cond3A = arith.constant 0 : i32
    %cond3A_2 = arith.cmpi ne, %convert_element_type3A, %cond3A : i32
    scf.if %cond3A_2 {
      %broadcast_in_dim3A = arith.constant -1.000000e+00 : f32
      %broadcast_in_dim3A_3 = vector.broadcast %broadcast_in_dim3A : f32 to vector<16xf32>
      %scan3A = arith.constant 0 : i32
      %scan3A_4 = arith.constant 0 : i32
      %scan3A_5 = arith.constant 513 : i32
      %scan3A_6 = arith.addi %scan3A_4, %scan3A_5 : i32
      %scan3A_7 = arith.constant 1 : i32
      %scan3A_8 = scf.for %scan3A_19 = %scan3A_4 to %scan3A_6 step %scan3A_7 iter_args(%scan3A_20 = %scan3A) -> (i32)  : i32 {
        %mul3A_21 = arith.constant 16 : i32
        %mul3A_22 = arith.muli %scan3A_19, %mul3A_21 : i32
        %swap3A = arith.index_cast %mul3A_22 : i32 to index
        %swap3A_23 = tpu.vector_load %arg6[%swap3A] {strides = array<i32>} : memref<8208xf32, #tpu.memory_space<vmem>>, vector<16xf32>,
        tpu.vector_store %arg6[%swap3A], %broadcast_in_dim3A_3 {strides = array<i32>} : memref<8208xf32, #tpu.memory_space<vmem>>, vector<16xf32>,
        %scan3A_24 = arith.constant 0 : i32
        scf.yield %scan3A_24 : i32
      }
      %scan3A_9 = arith.constant 513 : i32
      %iota3A = tpu.iota {dimensions = array<i32: 0>} : vector<16xi32>
      %mul3A_10 = arith.constant 262144 : i32
      %mul3A_11 = arith.muli %add3A, %mul3A_10 : i32
      %scan3A_12 = arith.constant 0 : i32
      %scan3A_13 = arith.constant 0 : i32
      %scan3A_14 = arith.constant 16 : i32
      %scan3A_15 = arith.addi %scan3A_13, %scan3A_14 : i32
      %scan3A_16 = arith.constant 1 : i32
      %scan3A_17 = scf.for %scan3A_19 = %scan3A_13 to %scan3A_15 step %scan3A_16 iter_args(%scan3A_20 = %scan3A_12) -> (i32)  : i32 {
        %mul3A_21 = arith.constant 16384 : i32
        %mul3A_22 = arith.muli %scan3A_19, %mul3A_21 : i32
        %add3A_23 = arith.addi %mul3A_11, %mul3A_22 : i32
        "tpu.region"() ({
          %run_scoped3A = tpu.sem_alloc : memref<!tpu.dma_semaphore, #tpu.memory_space<semaphore_mem>>
          %dma_start3A = tpu.memref_slice %arg2[%add3A_23] : memref<6553600xf32, #tpu.memory_space<hbm>> -> memref<16384xf32, #tpu.memory_space<hbm>>
          %dma_start3A_30 = tpu.memref_slice %arg2[%add3A_23] : memref<6553600xf32, #tpu.memory_space<hbm>> -> memref<16384xf32, #tpu.memory_space<hbm>>
          tpu.enqueue_dma source(%dma_start3A_30 : memref<16384xf32, #tpu.memory_space<hbm>>) target(%arg5 : memref<16384xf32, #tpu.memory_space<vmem>>) target_semaphore(%run_scoped3A : memref<!tpu.dma_semaphore, #tpu.memory_space<semaphore_mem>>)
          %dma_wait3A = tpu.memref_slice %arg2[%add3A_23] : memref<6553600xf32, #tpu.memory_space<hbm>> -> memref<16384xf32, #tpu.memory_space<hbm>>
          %dma_wait3A_31 = tpu.memref_slice %arg2[%add3A_23] : memref<6553600xf32, #tpu.memory_space<hbm>> -> memref<16384xf32, #tpu.memory_space<hbm>>
          tpu.wait_dma2 semaphore(%run_scoped3A : memref<!tpu.dma_semaphore, #tpu.memory_space<semaphore_mem>>) src(%dma_wait3A_31 : memref<16384xf32, #tpu.memory_space<hbm>>) dst(%arg5 : memref<16384xf32, #tpu.memory_space<vmem>>)
          tpu.yield
        }) : () -> ()
        %scan3A_24 = arith.constant 0 : i32
        %scan3A_25 = arith.constant 1024 : i32
        %scan3A_26 = arith.addi %scan3A_24, %scan3A_25 : i32
        %scan3A_27 = arith.constant 1 : i32
        %scan3A_28 = scf.for %scan3A_30 = %scan3A_24 to %scan3A_26 step %scan3A_27 iter_args(%scan3A_31 = %scan3A_20) -> (i32)  : i32 {
          %mul3A_32 = arith.constant 16 : i32
          %mul3A_33 = arith.muli %scan3A_30, %mul3A_32 : i32
          %get3A = arith.index_cast %mul3A_33 : i32 to index
          %get3A_34 = tpu.vector_load %arg5[%get3A] {strides = array<i32>} : memref<16384xf32, #tpu.memory_space<vmem>>, vector<16xf32>,
          %mul3A_35 = arith.constant 16384 : i32
          %mul3A_36 = arith.muli %scan3A_19, %mul3A_35 : i32
          %mul3A_37 = arith.constant 16 : i32
          %mul3A_38 = arith.muli %scan3A_30, %mul3A_37 : i32
          %add3A_39 = arith.addi %mul3A_36, %mul3A_38 : i32
          %add3A_40 = vector.broadcast %add3A_39 : i32 to vector<16xi32>
          %add3A_41 = arith.addi %add3A_40, %iota3A : vector<16xi32>
          %gt3A = arith.constant 0.000000e+00 : f32
          %gt3A_42 = vector.broadcast %gt3A : f32 to vector<16xf32>
          %gt3A_43 = arith.cmpf ogt, %get3A_34, %gt3A_42 : vector<16xf32>
          %lt3A_44 = arith.constant 64 : i32
          %lt3A_45 = vector.broadcast %lt3A_44 : i32 to vector<16xi32>
          %lt3A_46 = arith.cmpi slt, %add3A_41, %lt3A_45 : vector<16xi32>
          %eq3A = arith.constant 0.000000e+00 : f32
          %eq3A_47 = vector.broadcast %eq3A : f32 to vector<16xf32>
          %eq3A_48 = arith.cmpf oeq, %get3A_34, %eq3A_47 : vector<16xf32>
          %and3A = arith.andi %lt3A_46, %eq3A_48 : vector<16xi1>
          %or3A = arith.ori %gt3A_43, %and3A : vector<16xi1>
          %min3A = arith.constant 8192 : i32
          %min3A_49 = arith.minsi %scan3A_31, %min3A : i32
          %swap3A = arith.index_cast %min3A_49 : i32 to index
          %swap3A_50 = tpu.vector_load %arg6[%swap3A] masked %or3A {strides = array<i32>} : memref<8208xf32, #tpu.memory_space<vmem>>, vector<16xf32>, vector<16xi1>
          tpu.vector_store %arg6[%swap3A], %get3A_34 masked %or3A {strides = array<i32>} : memref<8208xf32, #tpu.memory_space<vmem>>, vector<16xf32>, vector<16xi1>
          %swap3A_51 = arith.index_cast %min3A_49 : i32 to index
          %swap3A_52 = tpu.vector_load %arg7[%swap3A_51] masked %or3A {strides = array<i32>} : memref<8208xi32, #tpu.memory_space<vmem>>, vector<16xi32>, vector<16xi1>
          tpu.vector_store %arg7[%swap3A_51], %add3A_41 masked %or3A {strides = array<i32>} : memref<8208xi32, #tpu.memory_space<vmem>>, vector<16xi32>, vector<16xi1>
          %convert_element_type3A_53 = arith.extui %or3A : vector<16xi1> to vector<16xi32>
          %reduce_sum3A = arith.constant true
          %reduce_sum3A_54 = vector.broadcast %reduce_sum3A : i1 to vector<16xi1>
          %reduce_sum3A_55 = tpu.scan <sum>, %convert_element_type3A_53 masked %reduce_sum3A_54 : vector<16xi32>, vector<16xi1> -> vector<16xi32>
          %reduce_sum3A_56 = vector.extract %reduce_sum3A_55[15] : i32 from vector<16xi32>
          %add3A_57 = arith.addi %scan3A_31, %reduce_sum3A_56 : i32
          scf.yield %add3A_57 : i32
        }
        %scan3A_29 = arith.constant 1024 : i32
        scf.yield %scan3A_28 : i32
      }
      %scan3A_18 = arith.constant 16 : i32
      "tpu.region"() ({
        %run_scoped3A = tpu.sem_alloc : memref<!tpu.dma_semaphore, #tpu.memory_space<semaphore_mem>>
        %dma_start3A = arith.constant 0 : i32
        %dma_start3A_19 = tpu.memref_slice %arg6[%dma_start3A] : memref<8208xf32, #tpu.memory_space<vmem>> -> memref<8192xf32, #tpu.memory_space<vmem>>
        %dma_start3A_20 = arith.constant 0 : i32
        %dma_start3A_21 = tpu.memref_slice %arg3[%add3A, %dma_start3A_20] : memref<25x8192xf32, #tpu.memory_space<hbm>> -> memref<1x8192xf32, #tpu.memory_space<hbm>>
        %dma_start3A_22 = tpu.memref_squeeze %dma_start3A_21 : memref<1x8192xf32, #tpu.memory_space<hbm>> -> memref<8192xf32, #tpu.memory_space<hbm>>
        %dma_start3A_23 = arith.constant 0 : i32
        %dma_start3A_24 = tpu.memref_slice %arg3[%add3A, %dma_start3A_23] : memref<25x8192xf32, #tpu.memory_space<hbm>> -> memref<1x8192xf32, #tpu.memory_space<hbm>>
        %dma_start3A_25 = tpu.memref_squeeze %dma_start3A_24 : memref<1x8192xf32, #tpu.memory_space<hbm>> -> memref<8192xf32, #tpu.memory_space<hbm>>
        %dma_start3A_26 = arith.constant 0 : i32
        %dma_start3A_27 = tpu.memref_slice %arg6[%dma_start3A_26] : memref<8208xf32, #tpu.memory_space<vmem>> -> memref<8192xf32, #tpu.memory_space<vmem>>
        tpu.enqueue_dma source(%dma_start3A_27 : memref<8192xf32, #tpu.memory_space<vmem>>) target(%dma_start3A_25 : memref<8192xf32, #tpu.memory_space<hbm>>) target_semaphore(%run_scoped3A : memref<!tpu.dma_semaphore, #tpu.memory_space<semaphore_mem>>)
        %dma_wait3A = arith.constant 0 : i32
        %dma_wait3A_28 = tpu.memref_slice %arg6[%dma_wait3A] : memref<8208xf32, #tpu.memory_space<vmem>> -> memref<8192xf32, #tpu.memory_space<vmem>>
        %dma_wait3A_29 = arith.constant 0 : i32
        %dma_wait3A_30 = tpu.memref_slice %arg3[%add3A, %dma_wait3A_29] : memref<25x8192xf32, #tpu.memory_space<hbm>> -> memref<1x8192xf32, #tpu.memory_space<hbm>>
        %dma_wait3A_31 = tpu.memref_squeeze %dma_wait3A_30 : memref<1x8192xf32, #tpu.memory_space<hbm>> -> memref<8192xf32, #tpu.memory_space<hbm>>
        %dma_wait3A_32 = arith.constant 0 : i32
        %dma_wait3A_33 = tpu.memref_slice %arg3[%add3A, %dma_wait3A_32] : memref<25x8192xf32, #tpu.memory_space<hbm>> -> memref<1x8192xf32, #tpu.memory_space<hbm>>
        %dma_wait3A_34 = tpu.memref_squeeze %dma_wait3A_33 : memref<1x8192xf32, #tpu.memory_space<hbm>> -> memref<8192xf32, #tpu.memory_space<hbm>>
        %dma_wait3A_35 = arith.constant 0 : i32
        %dma_wait3A_36 = tpu.memref_slice %arg6[%dma_wait3A_35] : memref<8208xf32, #tpu.memory_space<vmem>> -> memref<8192xf32, #tpu.memory_space<vmem>>
        tpu.wait_dma2 semaphore(%run_scoped3A : memref<!tpu.dma_semaphore, #tpu.memory_space<semaphore_mem>>) src(%dma_wait3A_36 : memref<8192xf32, #tpu.memory_space<vmem>>) dst(%dma_wait3A_34 : memref<8192xf32, #tpu.memory_space<hbm>>)
        tpu.yield
      }) : () -> ()
      "tpu.region"() ({
        %run_scoped3A = tpu.sem_alloc : memref<!tpu.dma_semaphore, #tpu.memory_space<semaphore_mem>>
        %dma_start3A = arith.constant 0 : i32
        %dma_start3A_19 = tpu.memref_slice %arg7[%dma_start3A] : memref<8208xi32, #tpu.memory_space<vmem>> -> memref<8192xi32, #tpu.memory_space<vmem>>
        %dma_start3A_20 = arith.constant 0 : i32
        %dma_start3A_21 = tpu.memref_slice %arg4[%add3A, %dma_start3A_20] : memref<25x8192xi32, #tpu.memory_space<hbm>> -> memref<1x8192xi32, #tpu.memory_space<hbm>>
        %dma_start3A_22 = tpu.memref_squeeze %dma_start3A_21 : memref<1x8192xi32, #tpu.memory_space<hbm>> -> memref<8192xi32, #tpu.memory_space<hbm>>
        %dma_start3A_23 = arith.constant 0 : i32
        %dma_start3A_24 = tpu.memref_slice %arg4[%add3A, %dma_start3A_23] : memref<25x8192xi32, #tpu.memory_space<hbm>> -> memref<1x8192xi32, #tpu.memory_space<hbm>>
        %dma_start3A_25 = tpu.memref_squeeze %dma_start3A_24 : memref<1x8192xi32, #tpu.memory_space<hbm>> -> memref<8192xi32, #tpu.memory_space<hbm>>
        %dma_start3A_26 = arith.constant 0 : i32
        %dma_start3A_27 = tpu.memref_slice %arg7[%dma_start3A_26] : memref<8208xi32, #tpu.memory_space<vmem>> -> memref<8192xi32, #tpu.memory_space<vmem>>
        tpu.enqueue_dma source(%dma_start3A_27 : memref<8192xi32, #tpu.memory_space<vmem>>) target(%dma_start3A_25 : memref<8192xi32, #tpu.memory_space<hbm>>) target_semaphore(%run_scoped3A : memref<!tpu.dma_semaphore, #tpu.memory_space<semaphore_mem>>)
        %dma_wait3A = arith.constant 0 : i32
        %dma_wait3A_28 = tpu.memref_slice %arg7[%dma_wait3A] : memref<8208xi32, #tpu.memory_space<vmem>> -> memref<8192xi32, #tpu.memory_space<vmem>>
        %dma_wait3A_29 = arith.constant 0 : i32
        %dma_wait3A_30 = tpu.memref_slice %arg4[%add3A, %dma_wait3A_29] : memref<25x8192xi32, #tpu.memory_space<hbm>> -> memref<1x8192xi32, #tpu.memory_space<hbm>>
        %dma_wait3A_31 = tpu.memref_squeeze %dma_wait3A_30 : memref<1x8192xi32, #tpu.memory_space<hbm>> -> memref<8192xi32, #tpu.memory_space<hbm>>
        %dma_wait3A_32 = arith.constant 0 : i32
        %dma_wait3A_33 = tpu.memref_slice %arg4[%add3A, %dma_wait3A_32] : memref<25x8192xi32, #tpu.memory_space<hbm>> -> memref<1x8192xi32, #tpu.memory_space<hbm>>
        %dma_wait3A_34 = tpu.memref_squeeze %dma_wait3A_33 : memref<1x8192xi32, #tpu.memory_space<hbm>> -> memref<8192xi32, #tpu.memory_space<hbm>>
        %dma_wait3A_35 = arith.constant 0 : i32
        %dma_wait3A_36 = tpu.memref_slice %arg7[%dma_wait3A_35] : memref<8208xi32, #tpu.memory_space<vmem>> -> memref<8192xi32, #tpu.memory_space<vmem>>
        tpu.wait_dma2 semaphore(%run_scoped3A : memref<!tpu.dma_semaphore, #tpu.memory_space<semaphore_mem>>) src(%dma_wait3A_36 : memref<8192xi32, #tpu.memory_space<vmem>>) dst(%dma_wait3A_34 : memref<8192xi32, #tpu.memory_space<hbm>>)
        tpu.yield
      }) : () -> ()
    } else {
    }
    return
  }
}

module attributes {stable_mosaic.version = 14 : i64} {
  func.func @_in_chw_body(%arg0: i32, %arg1: memref<4096x26xf32, #tpu.memory_space<vmem>>, %arg2: memref<25x8x512xf32, #tpu.memory_space<vmem>>) attributes {dimension_semantics = [#tpu.dimension_semantics<arbitrary>], iteration_bounds = array<i64: 64>, scalar_prefetch = 0 : i64, scratch_operands = 0 : i64, tpu.core_type = #tpu.core_type<tc>, window_params = [{transform_indices = @transform_0, window_bounds = array<i64: 4096, 26>}, {transform_indices = @transform_1, window_bounds = array<i64: 25, 8, 512>}]} {
    %get3A = arith.constant 0 : index
    %get3A_0 = arith.constant 0 : index
    %get3A_1 = vector.load %arg1[%get3A, %get3A_0] : memref<4096x26xf32, #tpu.memory_space<vmem>>, vector<4096x26xf32>
    %slice3A = vector.extract_strided_slice %get3A_1 {offsets = [0, 0], sizes = [4096, 25], strides = [1, 1]} : vector<4096x26xf32> to vector<4096x25xf32>
    %transpose3A = tpu.transpose %slice3A, [1, 0] : vector<4096x25xf32> -> vector<25x4096xf32>
    %reshape3A = vector.shape_cast %transpose3A : vector<25x4096xf32> to vector<25x8x512xf32>
    %swap3A = arith.constant 0 : index
    %swap3A_2 = arith.constant 0 : index
    %swap3A_3 = arith.constant 0 : index
    %swap3A_4 = vector.load %arg2[%swap3A, %swap3A_2, %swap3A_3] : memref<25x8x512xf32, #tpu.memory_space<vmem>>, vector<25x8x512xf32>
    tpu.vector_store %arg2[%swap3A, %swap3A_2, %swap3A_3], %reshape3A {strides = array<i32>} : memref<25x8x512xf32, #tpu.memory_space<vmem>>, vector<25x8x512xf32>,
    return
  }
  func.func @transform_0(%arg0: i32) -> (i32, i32) {
    %c0_i32 = arith.constant 0 : i32
    %c0_i32_0 = arith.constant 0 : i32
    return %arg0, %c0_i32 : i32, i32
  }
  func.func @transform_1(%arg0: i32) -> (i32, i32, i32) {
    %c0_i32 = arith.constant 0 : i32
    %c0_i32_0 = arith.constant 0 : i32
    %c0_i32_1 = arith.constant 0 : i32
    return %c0_i32, %arg0, %c0_i32_0 : i32, i32, i32
  }
}

module attributes {stable_mosaic.version = 14 : i64} {
  func.func @_nms_body(%arg0: i32, %arg1: memref<1x512x512xf32, #tpu.memory_space<vmem>>, %arg2: memref<1x512x512xf32, #tpu.memory_space<vmem>>, %arg3: memref<1x512x512xf32, #tpu.memory_space<vmem>>, %arg4: memref<1x2048x128xf32, #tpu.memory_space<vmem>>) attributes {dimension_semantics = [#tpu.dimension_semantics<arbitrary>], iteration_bounds = array<i64: 25>, scalar_prefetch = 0 : i64, scratch_operands = 0 : i64, tpu.core_type = #tpu.core_type<tc>, window_params = [{transform_indices = @transform_0, window_bounds = array<i64: 1, 512, 512>}, {transform_indices = @transform_1, window_bounds = array<i64: 1, 512, 512>}, {transform_indices = @transform_2, window_bounds = array<i64: 1, 512, 512>}, {transform_indices = @transform_3, window_bounds = array<i64: 1, 2048, 128>}]} {
    %get3A = arith.constant 0 : index
    %get3A_0 = arith.constant 0 : index
    %get3A_1 = arith.constant 0 : index
    %get3A_2 = vector.load %arg1[%get3A, %get3A_0, %get3A_1] : memref<1x512x512xf32, #tpu.memory_space<vmem>>, vector<1x512x512xf32>
    %get3A_3 = vector.shape_cast %get3A_2 : vector<1x512x512xf32> to vector<512x512xf32>
    %get3A_4 = arith.constant 0 : index
    %get3A_5 = arith.constant 0 : index
    %get3A_6 = arith.constant 0 : index
    %get3A_7 = vector.load %arg2[%get3A_4, %get3A_5, %get3A_6] : memref<1x512x512xf32, #tpu.memory_space<vmem>>, vector<1x512x512xf32>
    %get3A_8 = vector.shape_cast %get3A_7 : vector<1x512x512xf32> to vector<512x512xf32>
    %broadcast_in_dim3A = arith.constant 0.000000e+00 : f32
    %broadcast_in_dim3A_9 = vector.broadcast %broadcast_in_dim3A : f32 to vector<1x512xf32>
    %broadcast_in_dim3A_10 = arith.constant 0.000000e+00 : f32
    %broadcast_in_dim3A_11 = vector.broadcast %broadcast_in_dim3A_10 : f32 to vector<512x1xf32>
    %slice3A = vector.extract_strided_slice %get3A_3 {offsets = [0, 0], sizes = [511, 512], strides = [1, 1]} : vector<512x512xf32> to vector<511x512xf32>
    %concatenate3A = tpu.concatenate %broadcast_in_dim3A_9, %slice3A in 0 : vector<1x512xf32>, vector<511x512xf32> -> vector<512x512xf32>
    %slice3A_12 = vector.extract_strided_slice %get3A_3 {offsets = [1, 0], sizes = [511, 512], strides = [1, 1]} : vector<512x512xf32> to vector<511x512xf32>
    %concatenate3A_13 = tpu.concatenate %slice3A_12, %broadcast_in_dim3A_9 in 0 : vector<511x512xf32>, vector<1x512xf32> -> vector<512x512xf32>
    %slice3A_14 = vector.extract_strided_slice %get3A_3 {offsets = [0, 0], sizes = [512, 511], strides = [1, 1]} : vector<512x512xf32> to vector<512x511xf32>
    %concatenate3A_15 = tpu.concatenate %broadcast_in_dim3A_11, %slice3A_14 in 1 : vector<512x1xf32>, vector<512x511xf32> -> vector<512x512xf32>
    %slice3A_16 = vector.extract_strided_slice %get3A_3 {offsets = [0, 1], sizes = [512, 511], strides = [1, 1]} : vector<512x512xf32> to vector<512x511xf32>
    %concatenate3A_17 = tpu.concatenate %slice3A_16, %broadcast_in_dim3A_11 in 1 : vector<512x511xf32>, vector<512x1xf32> -> vector<512x512xf32>
    %ge3A = arith.cmpf oge, %get3A_3, %concatenate3A : vector<512x512xf32>
    %ge3A_18 = arith.cmpf oge, %get3A_3, %concatenate3A_13 : vector<512x512xf32>
    %and3A = arith.andi %ge3A, %ge3A_18 : vector<512x512xi1>
    %ge3A_19 = arith.cmpf oge, %get3A_3, %concatenate3A_15 : vector<512x512xf32>
    %and3A_20 = arith.andi %and3A, %ge3A_19 : vector<512x512xi1>
    %ge3A_21 = arith.cmpf oge, %get3A_3, %concatenate3A_17 : vector<512x512xf32>
    %and3A_22 = arith.andi %and3A_20, %ge3A_21 : vector<512x512xi1>
    %gt3A = arith.constant 1.000000e-01 : f32
    %gt3A_23 = vector.broadcast %gt3A : f32 to vector<512x512xf32>
    %gt3A_24 = arith.cmpf ogt, %get3A_3, %gt3A_23 : vector<512x512xf32>
    %and3A_25 = arith.andi %and3A_22, %gt3A_24 : vector<512x512xi1>
    %jit3A = arith.constant 0.000000e+00 : f32
    %broadcast_in_dim3A_26 = vector.broadcast %jit3A : f32 to vector<512x512xf32>
    %select_n3A = arith.select %and3A_25, %get3A_8, %broadcast_in_dim3A_26 : vector<512x512xi1>, vector<512x512xf32>
    %swap3A = arith.constant 0 : index
    %swap3A_27 = arith.constant 0 : index
    %swap3A_28 = arith.constant 0 : index
    %swap3A_29 = vector.load %arg3[%swap3A, %swap3A_27, %swap3A_28] : memref<1x512x512xf32, #tpu.memory_space<vmem>>, vector<1x512x512xf32>
    %swap3A_30 = vector.shape_cast %swap3A_29 : vector<1x512x512xf32> to vector<512x512xf32>
    %swap3A_31 = vector.shape_cast %select_n3A : vector<512x512xf32> to vector<1x512x512xf32>
    tpu.vector_store %arg3[%swap3A, %swap3A_27, %swap3A_28], %swap3A_31 {strides = array<i32>} : memref<1x512x512xf32, #tpu.memory_space<vmem>>, vector<1x512x512xf32>,
    %reshape3A = vector.shape_cast %select_n3A : vector<512x512xf32> to vector<2048x128xf32>
    %swap3A_32 = arith.constant 0 : index
    %swap3A_33 = arith.constant 0 : index
    %swap3A_34 = arith.constant 0 : index
    %swap3A_35 = vector.load %arg4[%swap3A_32, %swap3A_33, %swap3A_34] : memref<1x2048x128xf32, #tpu.memory_space<vmem>>, vector<1x2048x128xf32>
    %swap3A_36 = vector.shape_cast %swap3A_35 : vector<1x2048x128xf32> to vector<2048x128xf32>
    %swap3A_37 = vector.shape_cast %reshape3A : vector<2048x128xf32> to vector<1x2048x128xf32>
    tpu.vector_store %arg4[%swap3A_32, %swap3A_33, %swap3A_34], %swap3A_37 {strides = array<i32>} : memref<1x2048x128xf32, #tpu.memory_space<vmem>>, vector<1x2048x128xf32>,
    return
  }
  func.func @transform_0(%arg0: i32) -> (i32, i32, i32) {
    %c0_i32 = arith.constant 0 : i32
    %c0_i32_0 = arith.constant 0 : i32
    %c0_i32_1 = arith.constant 0 : i32
    return %arg0, %c0_i32, %c0_i32_0 : i32, i32, i32
  }
  func.func @transform_1(%arg0: i32) -> (i32, i32, i32) {
    %c0_i32 = arith.constant 0 : i32
    %c0_i32_0 = arith.constant 0 : i32
    %c0_i32_1 = arith.constant 0 : i32
    return %arg0, %c0_i32, %c0_i32_0 : i32, i32, i32
  }
  func.func @transform_2(%arg0: i32) -> (i32, i32, i32) {
    %c0_i32 = arith.constant 0 : i32
    %c0_i32_0 = arith.constant 0 : i32
    %c0_i32_1 = arith.constant 0 : i32
    return %arg0, %c0_i32, %c0_i32_0 : i32, i32, i32
  }
  func.func @transform_3(%arg0: i32) -> (i32, i32, i32) {
    %c0_i32 = arith.constant 0 : i32
    %c0_i32_0 = arith.constant 0 : i32
    %c0_i32_1 = arith.constant 0 : i32
    return %arg0, %c0_i32, %c0_i32_0 : i32, i32, i32
  }
}

module attributes {stable_mosaic.version = 14 : i64} {
  func.func @_to_hwc_body(%arg0: i32, %arg1: memref<25x8x512xf32, #tpu.memory_space<vmem>>, %arg2: memref<4096x25xf32, #tpu.memory_space<vmem>>) attributes {dimension_semantics = [#tpu.dimension_semantics<arbitrary>], iteration_bounds = array<i64: 64>, scalar_prefetch = 0 : i64, scratch_operands = 0 : i64, tpu.core_type = #tpu.core_type<tc>, window_params = [{transform_indices = @transform_0, window_bounds = array<i64: 25, 8, 512>}, {transform_indices = @transform_1, window_bounds = array<i64: 4096, 25>}]} {
    %get3A = arith.constant 0 : index
    %get3A_0 = arith.constant 0 : index
    %get3A_1 = arith.constant 0 : index
    %get3A_2 = vector.load %arg1[%get3A, %get3A_0, %get3A_1] : memref<25x8x512xf32, #tpu.memory_space<vmem>>, vector<25x8x512xf32>
    %reshape3A = vector.shape_cast %get3A_2 : vector<25x8x512xf32> to vector<25x4096xf32>
    %transpose3A = tpu.transpose %reshape3A, [1, 0] : vector<25x4096xf32> -> vector<4096x25xf32>
    %swap3A = arith.constant 0 : index
    %swap3A_3 = arith.constant 0 : index
    %swap3A_4 = vector.load %arg2[%swap3A, %swap3A_3] : memref<4096x25xf32, #tpu.memory_space<vmem>>, vector<4096x25xf32>
    tpu.vector_store %arg2[%swap3A, %swap3A_3], %transpose3A {strides = array<i32>} : memref<4096x25xf32, #tpu.memory_space<vmem>>, vector<4096x25xf32>,
    return
  }
  func.func @transform_0(%arg0: i32) -> (i32, i32, i32) {
    %c0_i32 = arith.constant 0 : i32
    %c0_i32_0 = arith.constant 0 : i32
    %c0_i32_1 = arith.constant 0 : i32
    return %c0_i32, %arg0, %c0_i32_0 : i32, i32, i32
  }
  func.func @transform_1(%arg0: i32) -> (i32, i32) {
    %c0_i32 = arith.constant 0 : i32
    %c0_i32_0 = arith.constant 0 : i32
    return %arg0, %c0_i32 : i32, i32
  }
}

module attributes {stable_mosaic.version = 14 : i64} {
  func.func @_select_body(%arg0: memref<25x8192xf32, #tpu.memory_space<vmem>>, %arg1: memref<25x8192xi32, #tpu.memory_space<vmem>>, %arg2: memref<64x25xf32, #tpu.memory_space<vmem>>, %arg3: memref<64x25xi32, #tpu.memory_space<vmem>>, %arg4: memref<25x8192xf32, #tpu.memory_space<vmem>>) attributes {dimension_semantics = [], scalar_prefetch = 0 : i64, scratch_operands = 1 : i64, tpu.core_type = #tpu.core_type<tc>} {
    %get3A = arith.constant 0 : index
    %get3A_0 = arith.constant 0 : index
    %get3A_1 = vector.load %arg0[%get3A, %get3A_0] : memref<25x8192xf32, #tpu.memory_space<vmem>>, vector<25x8192xf32>
    %swap3A = arith.constant 0 : index
    %swap3A_2 = arith.constant 0 : index
    %swap3A_3 = vector.load %arg4[%swap3A, %swap3A_2] : memref<25x8192xf32, #tpu.memory_space<vmem>>, vector<25x8192xf32>
    tpu.vector_store %arg4[%swap3A, %swap3A_2], %get3A_1 {strides = array<i32>} : memref<25x8192xf32, #tpu.memory_space<vmem>>, vector<25x8192xf32>,
    %get3A_4 = arith.constant 0 : index
    %get3A_5 = arith.constant 0 : index
    %get3A_6 = vector.load %arg1[%get3A_4, %get3A_5] : memref<25x8192xi32, #tpu.memory_space<vmem>>, vector<25x8192xi32>
    %scan3A = arith.constant 0 : i32
    %scan3A_7 = arith.constant 64 : i32
    %scan3A_8 = arith.addi %scan3A, %scan3A_7 : i32
    %scan3A_9 = arith.constant 1 : i32
    scf.for %scan3A_11 = %scan3A to %scan3A_8 step %scan3A_9  : i32 {
      %get3A_12 = arith.constant 0 : index
      %get3A_13 = arith.constant 0 : index
      %get3A_14 = vector.load %arg4[%get3A_12, %get3A_13] : memref<25x8192xf32, #tpu.memory_space<vmem>>, vector<25x8192xf32>
      %reduce_max3A = arith.constant dense<0xFF800000> : vector<25xf32>
      %reduce_max3A_15 = vector.multi_reduction <maximumf>, %get3A_14, %reduce_max3A [1] : vector<25x8192xf32> to vector<25xf32>
      %broadcast_in_dim3A = vector.shape_cast %reduce_max3A_15 : vector<25xf32> to vector<25x1xf32>
      %eq3A = vector.broadcast %broadcast_in_dim3A : vector<25x1xf32> to vector<25x8192xf32>
      %eq3A_16 = arith.cmpf oeq, %get3A_14, %eq3A : vector<25x8192xf32>
      %jit3A = arith.constant 1073741824 : i32
      %broadcast_in_dim3A_17 = vector.broadcast %jit3A : i32 to vector<25x8192xi32>
      %select_n3A = arith.select %eq3A_16, %get3A_6, %broadcast_in_dim3A_17 : vector<25x8192xi1>, vector<25x8192xi32>
      %reduce_min3A = arith.constant dense<2147483647> : vector<25xi32>
      %reduce_min3A_18 = vector.multi_reduction <minsi>, %select_n3A, %reduce_min3A [1] : vector<25x8192xi32> to vector<25xi32>
      %broadcast_in_dim3A_19 = vector.shape_cast %reduce_max3A_15 : vector<25xf32> to vector<1x25xf32>
      %swap3A_20 = arith.index_cast %scan3A_11 : i32 to index
      %swap3A_21 = arith.constant 0 : index
      %swap3A_22 = vector.load %arg2[%swap3A_20, %swap3A_21] : memref<64x25xf32, #tpu.memory_space<vmem>>, vector<1x25xf32>
      tpu.vector_store %arg2[%swap3A_20, %swap3A_21], %broadcast_in_dim3A_19 {strides = array<i32>} : memref<64x25xf32, #tpu.memory_space<vmem>>, vector<1x25xf32>,
      %broadcast_in_dim3A_23 = vector.shape_cast %reduce_min3A_18 : vector<25xi32> to vector<1x25xi32>
      %swap3A_24 = arith.index_cast %scan3A_11 : i32 to index
      %swap3A_25 = arith.constant 0 : index
      %swap3A_26 = vector.load %arg3[%swap3A_24, %swap3A_25] : memref<64x25xi32, #tpu.memory_space<vmem>>, vector<1x25xi32>
      tpu.vector_store %arg3[%swap3A_24, %swap3A_25], %broadcast_in_dim3A_23 {strides = array<i32>} : memref<64x25xi32, #tpu.memory_space<vmem>>, vector<1x25xi32>,
      %broadcast_in_dim3A_27 = vector.shape_cast %reduce_min3A_18 : vector<25xi32> to vector<25x1xi32>
      %eq3A_28 = vector.broadcast %broadcast_in_dim3A_27 : vector<25x1xi32> to vector<25x8192xi32>
      %eq3A_29 = arith.cmpi eq, %get3A_6, %eq3A_28 : vector<25x8192xi32>
      %and3A = arith.andi %eq3A_16, %eq3A_29 : vector<25x8192xi1>
      %jit3A_30 = arith.constant -1.000000e+00 : f32
      %broadcast_in_dim3A_31 = vector.broadcast %jit3A_30 : f32 to vector<25x8192xf32>
      %select_n3A_32 = arith.select %and3A, %broadcast_in_dim3A_31, %get3A_14 : vector<25x8192xi1>, vector<25x8192xf32>
      %swap3A_33 = arith.constant 0 : index
      %swap3A_34 = arith.constant 0 : index
      %swap3A_35 = vector.load %arg4[%swap3A_33, %swap3A_34] : memref<25x8192xf32, #tpu.memory_space<vmem>>, vector<25x8192xf32>
      tpu.vector_store %arg4[%swap3A_33, %swap3A_34], %select_n3A_32 {strides = array<i32>} : memref<25x8192xf32, #tpu.memory_space<vmem>>, vector<25x8192xf32>,
    }
    %scan3A_10 = arith.constant 64 : i32
    return
  }
}

</mosaic_0001>

<sc_bundles>
// kernel: kernel.7.cloned.1.call-start
scs
__scs_entry_jumppad:
0x0: {  	(pc) =	sbr.rel $0x88, $3  }
0x1: {  	(tag) =	ssettag $0x0;
	lr =	simm.s32 $0x1  }
0x2: {  	[smem:$0x3FA0] =	sst lr;
	_ =	strace $0xD0000000  }
0x3: {  	_ = 	snop  }
0x4: {  	_ = 	snop  }
0x5: {  	_ = 	snop  }
0x6: {  	_ = 	snop  }
0x7: {  	_ = 	snop  }
__scs_overlays_trampoline_lowered:
0x8: {  	[smem:$0x3FAF] =	sst s0  }
0x9: {  	[smem:$0x3FB0] =	sst s1  }
0xa: {  	[smem:$0x3FB1] =	sst s2  }
0xb: {  	[smem:$0x3FB2] =	sst s3  }
0xc: {  	[smem:$0x3FB3] =	sst s4  }
0xd: {  	[smem:$0x3FB4] =	sst s5  }
0xe: {  	[smem:$0x3FB5] =	sst s6  }
0xf: {  	[smem:$0x3FB6] =	sst s7  }
0x10: {  	[smem:$0x3FB7] =	sst s8  }
0x11: {  	[smem:$0x3FB8] =	sst s9;
	s0 =	simm.s32 @!p0 $0x0  }
0x12: {  	s1 =	sld [smem:$0x3F9E];
	s0 =	simm.s32 @p0 $0x1  }
0x13: {  	[smem:$0x3FB9] =	sst s0;
	s0 =	simm.s32 @!p1 $0x0  }
0x14: {  	s2 =	sld [smem:$0x3F9D];
	s0 =	simm.s32 @p1 $0x1  }
0x15: {  	[smem:$0x3FBA] =	sst s0;
	s0 =	simm.s32 @!p2 $0x0  }
0x16: {  	s3 =	sld [smem:$0x3FDB];
	s0 =	simm.s32 @p2 $0x1  }
0x17: {  	s4 =	simm.s32 $0x1BF5;
	[smem:$0x3FBC] =	sst s0  }
0x18: {  	s0 =	sld [smem:$0x3F9F];
	_ =	swait.ge [sflag:s4], $0x0  }
0x19: {  	s7 =	sld [smem:$0x3FA0]  }
0x1a: {  	s8 =	sadd.s32 $0xFFFFE003, lr  }
0x1b: {  	s9 =	sadd.s32 $0xFFFFFEF7, lr;
	s5 =	simm.s32 $0xFFFFFFFF;
	p2 =	slt.u32 s8, $0xFFFFF086  }
0x1c: {  	p1 =	slt.u32 s9, $0xF7A;
	s5 =	simm.s32 @!p2 $0x0  }
0x1d: {  	s5 =	simm.s32 @p1 $0x1;
	p0 =	seq.s32 s7, s2  }
0x1e: {  	s7 =	smul.u32 @!p0 $0xF7A, s2;
	p2 =	seq.s32 @!p0 s5, $0x0  }
0x1f: {  	s9 =	smul.u32 $0xF7A, s1;
	s8 =	simm.s32 @!p0 $0x1BF5;
	p2 =	por !p2, p0  }
0x20: {  	[sflag:s8] =	ssyncset.s32 @!p0 $0xFFFFF086;
	s6 =	sadd.s32 @!p0 s3, s7;
	s7 =	simm.s32 @!p0 $0x108  }
0x21: {  	s3 =	sadd.s32 s3, s9;
	s6 =	sadd.s32 @!p0 $0x88, s6;
	s7 =	simm.s32 @p2 $0x1082  }
0x22: {  	[simem:s7], [sflag:s8] =	dma.local @!p0 [hbm:s6], $0xF7A  }
0x23: {  	s9 =	sor.u32 $0xD0000000, s2;
	s6 =	simm.s32 $0x108;
	_ =	swait.ge @!p0 [sflag:s8], $0x0  }
0x24: {  	s3 =	sadd.s32 $0x88, s3;
	s6 =	simm.s32 @!p1 $0x1082;
	[sflag:s4] =	ssyncset.s32 $0xFFFFF086  }
0x25: {  	[simem:s6], [sflag:s4] =	dma.local [hbm:s3], $0xF7A  }
0x26: {  	[smem:$0x3FA0] =	sst s1;
	(tag) =	ssettag s2;
	_ =	strace s9  }
0x27: {  	s1 =	sld [smem:$0x3FB0]  }
0x28: {  	s2 =	sld [smem:$0x3FB1]  }
0x29: {  	s4 =	sld [smem:$0x3FB3]  }
0x2a: {  	p0 =	seq.s32 s5, $0x0;
	s5 =	sld [smem:$0x3FB4]  }
0x2b: {  	s6 =	sld [smem:$0x3FB5]  }
0x2c: {  	s7 =	sld [smem:$0x3FB6]  }
0x2d: {  	s3 =	simm.s32 $0x108;
	s8 =	sld [smem:$0x3FB7]  }
0x2e: {  	s3 =	simm.s32 @!p0 $0x1082;
	s9 =	sld [smem:$0x3FB8]  }
0x2f: {  	lr =	sadd.s32 s0, s3;
	s0 =	sld [smem:$0x3FAF]  }
0x30: {  	s3 =	sld [smem:$0x3FB2]  }
0x31: {  	[smem:$0x3FBB] =	sst s10  }
0x32: {  	s10 =	sld [smem:$0x3FB9];
	_ =	sdelay $0x3  }
0x33: {  	p0 =	seq.s32 s10, $0x1;
	s10 =	sld [smem:$0x3FBB];
	_ =	sdelay $0x3  }
0x34: {  	[smem:$0x3FBB] =	sst s10  }
0x35: {  	s10 =	sld [smem:$0x3FBA];
	_ =	sdelay $0x3  }
0x36: {  	p1 =	seq.s32 s10, $0x1;
	s10 =	sld [smem:$0x3FBB];
	_ =	sdelay $0x3  }
0x37: {  	[smem:$0x3FBB] =	sst s10  }
0x38: {  	s10 =	sld [smem:$0x3FBC]  }
0x39: {  	_ = 	snop;
	(pc) =	sbr.ind lr, $3  }
0x3a: {  	_ = 	snop  }
0x3b: {  	_ = 	snop  }
0x3c: {  	p2 =	seq.s32 s10, $0x1;
	s10 =	sld [smem:$0x3FBB]  }
0x3d: {  	_ =	shalt  }
0x3e: {  	_ =	shalt  }
0x3f: {  	_ =	shalt  }
0x40: {  	_ =	shalt  }
0x41: {  	_ =	shalt  }
0x42: {  	_ =	shalt  }
0x43: {  	_ =	shalt  }
0x44: {  	_ =	shalt  }
0x45: {  	_ =	shalt  }
0x46: {  	_ =	shalt  }
0x47: {  	_ =	shalt  }
0x48: {  	_ =	shalt  }
0x49: {  	_ =	shalt  }
0x4a: {  	_ =	shalt  }
0x4b: {  	_ =	shalt  }
0x4c: {  	_ =	shalt  }
0x4d: {  	_ =	shalt  }
0x4e: {  	_ =	shalt  }
0x4f: {  	_ =	shalt  }
0x50: {  	_ =	shalt  }
0x51: {  	_ =	shalt  }
0x52: {  	_ =	shalt  }
0x53: {  	_ =	shalt  }
0x54: {  	_ =	shalt  }
0x55: {  	_ =	shalt  }
0x56: {  	_ =	shalt  }
0x57: {  	_ =	shalt  }
0x58: {  	_ =	shalt  }
0x59: {  	_ =	shalt  }
0x5a: {  	_ =	shalt  }
0x5b: {  	_ =	shalt  }
0x5c: {  	_ =	shalt  }
0x5d: {  	_ =	shalt  }
0x5e: {  	_ =	shalt  }
0x5f: {  	_ =	shalt  }
0x60: {  	_ =	shalt  }
0x61: {  	_ =	shalt  }
0x62: {  	_ =	shalt  }
0x63: {  	_ =	shalt  }
0x64: {  	_ =	shalt  }
0x65: {  	_ =	shalt  }
0x66: {  	_ =	shalt  }
0x67: {  	_ =	shalt  }
0x68: {  	_ =	shalt  }
0x69: {  	_ =	shalt  }
0x6a: {  	_ =	shalt  }
0x6b: {  	_ =	shalt  }
0x6c: {  	_ =	shalt  }
0x6d: {  	_ =	shalt  }
0x6e: {  	_ =	shalt  }
0x6f: {  	_ =	shalt  }
0x70: {  	_ =	shalt  }
0x71: {  	_ =	shalt  }
0x72: {  	_ =	shalt  }
0x73: {  	_ =	shalt  }
0x74: {  	_ =	shalt  }
0x75: {  	_ =	shalt  }
0x76: {  	_ =	shalt  }
0x77: {  	_ =	shalt  }
0x78: {  	_ =	shalt  }
0x79: {  	_ =	shalt  }
0x7a: {  	_ =	shalt  }
0x7b: {  	_ =	shalt  }
0x7c: {  	_ =	shalt  }
0x7d: {  	_ =	shalt  }
0x7e: {  	_ =	shalt  }
0x7f: {  	_ =	shalt  }
0x80: {  	_ =	shalt  }
0x81: {  	_ =	shalt  }
0x82: {  	_ =	shalt  }
0x83: {  	_ =	shalt  }
0x84: {  	_ =	shalt  }
0x85: {  	_ =	shalt  }
0x86: {  	_ =	shalt  }
0x87: {  	_ =	shalt  }
.Lfunc_end0:
.L_simem_size_0:
called_computation_lowered:
.L_overlay_start_0:
0x88: {  	s2 =	sld [smem:$0x3FD9]  }
0x89: {  	s3 =	sld [smem:$0x3FFE];
	_ =	sdelay $0x1  }
0x8a: {  	s1 =	srdreg.scid  }
0x8b: {  	s0 =	sand.u32 $0x1, s1  }
0x8c: {  	s16 =	sshll.u32 s0, $0xA;
	s2 =	sadd.s32 s3, s2  }
0x8d: {  	s2 =	sadd.s32 s2, s16  }
0x8e: {  	[smem:$0x3FC7] =	sst s2  }
0x8f: {  	_ = 	snop  }
0x90: {  	(tm) =	ssettm $0x1  }
0x91: {  	s17 =	sld [smem:$0x3FFB];
	_ =	sdelay $0x3  }
0x92: {  	_ =	strace s17  }
0x93: {  	s2 =	sld [smem:$0x3FFC];
	_ =	sdelay $0x3  }
0x94: {  	_ =	strace s2  }
0x95: {  	s2 =	sld [smem:$0x3FFD];
	_ =	sdelay $0x3  }
0x96: {  	_ =	strace s2  }
0x97: {  	_ =	strace $0x8FFFFFFF  }
0x98: {  	s18 =	sld [smem:$0x3FDB];
	_ =	sdelay $0x1  }
0x99: {  	s19 =	simm.s32 $_scs_section_size  }
0x9a: {  	s4 =	simm.s32 $_size__tile_overlayer_lowered;
	s5 =	simm.s32 $_tile_overlayer_lowered  }
0x9b: {  	s22 =	simm.s32 $0x1BFF;
	s21 =	sshll.u32 s5, $0x1;
	s2 =	sadd.s32 s19, s18  }
0x9c: {  	s6 =	simm.s32 $0x0;
	s20 =	sshll.u32 s4, $0x1;
	s4 =	sadd.s32 s21, s2  }
0x9d: {  	[timem:s6], [sflag:s22] =	dma.local [hbm:s4], s20  }
0x9e: {  	_ =	swait.ge [sflag:s22], s20  }
0x9f: {  	s3 =	ssub.s32 $0x0, s20;
	[sflag:s22] =	ssyncset.done $0x0  }
0xa0: {  	[sflag:s22] =	ssyncadd.s32 s3;
	_ =	sdelay $0x1  }
0xa1: {  	s23 =	simm.s32 $0x1B8B  }
0xa2: {  	_ =	swait.ge [sflag:s23], $0x1  }
0xa3: {  	[sflag:s23] =	ssyncset.done $0x0  }
0xa4: {  	s25 =	simm.s32 $0x1B8E;
	s24 =	sld [smem:$0x3FFE];
	[sflag:s23] =	ssyncadd.s32 $0xFFFFFFFF  }
0xa5: {  	s26 =	simm.s32 $execute0_lowered;
	[smem:$0x3FD2] =	sst s25  }
0xa6: {  	s4 =	sshll.u32 s26, $0x1;
	_ =	strace $0x80000046;
	[dreg:$0x1] =	wrdreg $0xFFFFFFFF  }
0xa7: {  	s28 =	simm.s32 $_size_execute0_lowered;
	s2 =	sadd.s32 s2, s4;
	[dreg:$0x0] =	wrdreg $0x0  }
0xa8: {  	s4 =	sshll.u32 s28, $0x1;
	[dreg:$0x2] =	wrdreg s2  }
0xa9: {  	[dreg:$0x3] =	wrdreg s4  }
0xaa: {  	[dreg:$0x4] =	wrdreg $0xC0  }
0xab: {  	_ =	task [dreg:s6], $0x5FFFF  }
0xac: {  	[dreg:$0x1] =	wrdreg $0xFFFFFFFF  }
0xad: {  	[dreg:$0x0] =	wrdreg $0x60  }
0xae: {  	[dreg:$0x2] =	wrdreg s24  }
0xaf: {  	[dreg:$0x3] =	wrdreg $0x9  }
0xb0: {  	_ =	task.clear_ibuf [dreg:s6], $0x4FFFF;
	_ =	strace $0x90000046  }
0xb1: {  	s29 =	simm.s32 $0x9;
	_ =	strace $0x80000048  }
0xb2: {  	_ =	swait.ge [sflag:s29], $0x1  }
0xb3: {  	[sflag:s29] =	ssyncadd.s32 $0xFFFFFFFF  }
0xb4: {  	_ =	strace $0x90000048  }
0xb5: {  	_ =	sfence  }
0xb6: {  	s30 =	sld [smem:$0x0];
	_ =	sdelay $0x2  }
0xb7: {  	s31 =	sshll.u32 s1, $0xD;
	s1 =	sshrl.u32 s1, $0x2  }
0xb8: {  	s3 =	sand.u32 $0x4000, s31;
	s1 =	sadd.s32 s1, s30  }
0xb9: {  	s0 =	sor.u32 s3, s0;
	s1 =	sshll.u32 s1, $0x11  }
0xba: {  	s0 =	sor.u32 s1, s0  }
0xbb: {  	s0 =	sadd.s32 $0x8F2B, s0  }
0xbc: {  	[sflag:s0] =	ssyncadd.remote.s32 $0x1  }
0xbd: {  	_ =	sfence.sel $0xFFFF  }
0xbe: {  	[dreg:$0x0] =	wrdreg $0xFFFFFFFF;
	(pc) =	sbr.abs _section_cstart, $3  }
0xbf: {  	[dreg:$0x1] =	wrdreg $0xFFFFFFFF  }
0xc0: {  	_ =	task.clear_ibuf [dreg:s6], $0x2FFFF;
	_ =	strace $0x9FFFFFFF  }
0xc1: {  	(tm) =	ssettm $0x7FFFFFFF  }
tec
execute0_lowered:
.L_overlay_start_1:
0x0: {  	(tag) =	ssettag $0x1  }
0x1: {  	s1 =	srdreg.scid;
	s0 =	stileid.u32  }
0x2: {  	s5 =	sand.u32 $0x1, s1;
	s3 =	sshll.u32 s0, $0x1  }
0x3: {  	s6 =	sor.u32 s5, s3  }
0x4: {  	p0 =	sgt.u32 s6, $0x18  }
.Ltmp0:
0x5: {  	_ = 	snop;
	(pc) =	sbr.rel @p0 .LBB2_9-.Ltmp0, $4  }
0x6: {  	_ = 	snop  }
0x7: {  	s4 =	rddreg [dreg:$0x0];
	s2 =	simm.s32 $0x0  }
0x8: {  	[smem:$0x7FF] =	sst s2  }
0x9: {  	s1 =	rddreg [dreg:$0x1];
	_ =	strace $0x80000047  }
0xa: {  	s3 =	sshll.u32 s0, $0xB;
	s7 =	sshll.u32 s6, $0x4;
	s8 =	ssub.s32 $0x2, s5  }
0xb: {  	s10 =	simm.s32 $0x400;
	s11 =	simm.s32 $0x4000;
	s12 =	simm.s32 $0x6080  }
0xc: {  	s7 =	sor.u32 s3, s7;
	s3 =	sadd.s32 $0x193600, s4;
	s9 =	sshrl.u32 s8, $0x1  }
0xd: {  	s7 =	sand.u32 $0x6070, s7;
	s31 =	ssub.s32 s8, s9;
	s8 =	simm.s32 $0x1  }
0xe: {  	s9 =	simm.s32 $0x80;
	s7 =	sadd.s32 s7, s4;
	s4 =	sshll.u32 s6, $0x12  }
0xf: {  	v0 =	vimm.f32 $-1.000000000e+00;
	v1 =	vlaneseq.u32;
	v2 =	vimm.s32 $0x0;
	s5 =	sadd.s32 $0x3600, s7;
	s6 =	sadd.s32 $0xB600, s7;
	s7 =	smax.u32 s31, $0x1  }
.LBB2_2:
0x10: {  	s13 =	simm.s32 $0x0;
	s14 =	simm.s32 $0x40;
	s15 =	simm.s32 $0x0  }
.LBB2_3:
0x11: {  	p0 =	sne.s32 s14, $0x8000;
	[tilespmem:s15+$0x4000] =	vst v0;
	s15 =	smov.u32 s14;
	s14 =	sadd.s32 $0x40, s14  }
.Ltmp1:
0x12: {  	(pc) =	sbr.rel @p0 .LBB2_3-.Ltmp1, $2  }
0x13: {  	_ =	sdelay $0x2  }
0x14: {  	s15 =	sshra.s32 s15, $0x2  }
0x15: {  	[tilespmem:s15+$0x4000] =	vst v0;
	s15 =	simm.s32 $0x0;
	s14 =	simm.s32 $0x0  }
.LBB2_5:
0x16: {  	s16 =	sshll.u32 s14, $0xE  }
0x17: {  	s16 =	sadd.s32 s4, s16  }
0x18: {  	s16 =	sshrl.u32 s16, $0x3  }
0x19: {  	s17 =	simm.s32 $0x0;
	s16 =	sadd.s32 s3, s16  }
0x1a: {  	[tilespmem:s17], [sflag:$0x1] =	stream.linear.gather [hbm4b:s16+s17], $0x4000, $0x38;
	[tilespmem:$0x8100] =	vst v63  }
0x1b: {  	_ =	swait.ge [sflag:s8], $0x4000  }
0x1c: {  	[sflag:s8] =	ssyncset.done $0x0  }
0x1d: {  	s31 =	simm.s32 $0x0;
	[sflag:s8] =	ssyncadd.s32 $0xFFFFC000  }
0x1e: {  	v3 =	vld [tilespmem:s31+$0x0];
	_ =	sdelay $0x3  }
0x1f: {  	v4 =	vmov s13  }
0x20: {  	vm0 =	vlt.u32 v4, $0x40;
	vm1 =	veq.f32 v3, $0.0e+00  }
0x21: {  	vm2 =	vgt.f32 v3, $0.0e+00;
	vm0 =	vmand vm0, vm1  }
0x22: {  	vm0 =	vmor vm2, vm0  }
0x23: {  	v63 =	vsel vm0, $0x1, v2  }
0x24: {  	(xrf0) =	vadd.scan.msk.s32 $0xffff, v63;
	_ =	sdelay $0x5  }
0x25: {  	p0 =	slt.s32 s15, $0x2000;
	s16 =	smov.u32 s15;
	v4, _, _ =	vpop (xrf0)  }
0x26: {  	s16 =	simm.s32 @!p0 $0x2000;
	(v2sf) =	vpush v4, $0xF  }
0x27: {  	v5 =	vor.u32 s13, v1;
	[tilespmem:s16+$0x4000] =	vst.msk vm0, v3  }
0x28: {  	s18 =	simm.s32 $0x10;
	s17 =	simm.s32 $0x80;
	[tilespmem:s16+$0x6080] =	vst.msk vm0, v5;
	s16 =	smov.u32 s13  }
.LBB2_6:
0x29: {  	p0 =	sne.s32 s17, $0xFFC0;
	v3 =	vld [tilespmem:s18+$0x0];
	_ =	sdelay $0x2  }
0x2a: {  	s16 =	sadd.s32 $0x10, s16  }
0x2b: {  	v4 =	vmov s16  }
0x2c: {  	vm0 =	vlt.u32 v4, $0x40;
	vm1 =	veq.f32 v3, $0.0e+00  }
0x2d: {  	vm2 =	vgt.f32 v3, $0.0e+00;
	vm0 =	vmand vm0, vm1  }
0x2e: {  	vm0 =	vmor vm2, vm0  }
0x2f: {  	v4 =	vsel vm0, $0x1, v2  }
0x30: {  	(xrf0) =	vadd.scan.msk.s32 $0xffff, v4;
	_ =	sdelay $0x2  }
0x31: {  	s18 =	spop (v2sf)  }
0x32: {  	s15 =	sadd.s32 s15, s18  }
.Ltmp2:
0x33: {  	p1 =	slt.s32 s15, $0x2000;
	s18 =	smov.u32 s15;
	(pc) =	sbr.rel @p0 .LBB2_6-.Ltmp2, $4  }
0x34: {  	s18 =	simm.s32 @!p1 $0x2000;
	v4, _, _ =	vpop (xrf0)  }
0x35: {  	v5 =	vor.u32 s16, v1;
	[tilespmem:s18+$0x4000] =	vst.msk vm0, v3;
	(v2sf) =	vpush v4, $0xF  }
0x36: {  	[tilespmem:s18+$0x6080] =	vst.msk vm0, v5  }
0x37: {  	s18 =	sshra.s32 s17, $0x2;
	s17 =	sadd.s32 $0x40, s17  }
0x38: {  	v3 =	vld [tilespmem:s18+$0x0];
	_ =	sdelay $0x2  }
0x39: {  	s16 =	sadd.s32 $0x10, s16  }
0x3a: {  	v4 =	vmov s16  }
0x3b: {  	vm0 =	vlt.u32 v4, $0x40;
	vm1 =	veq.f32 v3, $0.0e+00  }
0x3c: {  	vm2 =	vgt.f32 v3, $0.0e+00;
	vm0 =	vmand vm0, vm1  }
0x3d: {  	vm0 =	vmor vm2, vm0  }
0x3e: {  	v62 =	vsel vm0, $0x1, v2  }
0x3f: {  	(xrf0) =	vadd.scan.msk.s32 $0xffff, v62;
	_ =	sdelay $0x5  }
0x40: {  	v4, _, _ =	vpop (xrf0)  }
0x41: {  	(v2sf) =	vpush v4, $0xF;
	_ =	sdelay $0x7  }
0x42: {  	s17 =	spop (v2sf)  }
0x43: {  	s15 =	sadd.s32 s15, s17  }
0x44: {  	s14 =	sadd.s32 $0x1, s14;
	p0 =	slt.s32 s15, $0x2000;
	s17 =	smov.u32 s15  }
0x45: {  	s17 =	simm.s32 @!p0 $0x2000;
	p0 =	sne.s32 s14, $0x10  }
.Ltmp3:
0x46: {  	_ = 	snop;
	(pc) =	sbr.rel @p0 .LBB2_5-.Ltmp3, $3  }
0x47: {  	_ =	sdelay $0x1  }
0x48: {  	v63 =	vor.u32 s16, v1;
	[tilespmem:s17+$0x4000] =	vst.msk vm0, v3;
	s31 =	spop (v2sf)  }
0x49: {  	s13 =	sadd.s32 $0x4000, s13;
	[tilespmem:s17+$0x6080] =	vst.msk vm0, v63;
	s15 =	sadd.s32 s15, s31  }
0x4a: {  	[hbm4b:s5+s9] =	stream.strided.scatter [tilespmem:s11], [sflag:$0x1], $0x2000, s10, s9, $0x38;
	[tilespmem:$0x8100] =	vst v63  }
0x4b: {  	s2 =	sadd.s32 $0x1, s2;
	_ =	swait.ge [sflag:s8], $0x2000  }
0x4c: {  	p0 =	sne.s32 s2, s7;
	[sflag:s8] =	ssyncset.done $0x0  }
.Ltmp4:
0x4d: {  	[sflag:s8] =	ssyncadd.s32 $0xFFFFE000;
	(pc) =	sbr.rel @p0 .LBB2_2-.Ltmp4, $4  }
0x4e: {  	[hbm4b:s6+s9] =	stream.strided.scatter [tilespmem:s12], [sflag:$0x1], $0x2000, s10, s9, $0x38;
	[tilespmem:$0x8100] =	vst v63  }
0x4f: {  	_ =	swait.ge [sflag:s8], $0x2000  }
0x50: {  	[sflag:s8] =	ssyncset.done $0x0  }
0x51: {  	[sflag:s8] =	ssyncadd.s32 $0xFFFFE000  }
.LBB2_9:
0x52: {  	_ =	sfence.sel $0x180000  }
0x53: {  	[bflag:$0x0] =	sbarrier.arrive $0xFFFF  }
0x54: {  	p0 =	sne.s32 s0, $0x0;
	_ =	strace $0x90000047  }
0x55: {  	s0 =	sadd.s32 @!p0 $0x100000, s1;
	[bflag:$0x2] =	sbarrier.arrive $0xFFFF  }
0x56: {  	[sflag:s0] =	ssyncadd.tile.s32 @!p0 $0x1;
	_ =	shalt  }
.Lfunc_end2:
_tile_overlayer_lowered:
.L_overlay_start_2:
0x57: {  	(tag) =	ssettag $0x2  }
0x58: {  	s0 =	rddreg [dreg:$0x0];
	s2 =	stileid.u32  }
0x59: {  	s1 =	rddreg [dreg:$0x1];
	p0 =	sne.s32 s2, $0x0  }
0x5a: {  	s3 =	rddreg [dreg:$0x2];
	[bflag:$0x3] =	sbarrier.arrive $0xFFFF;
	s2 =	simm.s32 @!p0 $0x1C01  }
0x5b: {  	[timem:s3], [sflag:s2] =	dma.local @!p0 [hbm:s0], s1  }
0x5c: {  	s0 =	simm.s32 @!p0 $0x1  }
0x5d: {  	_ =	swait.ge @!p0 [sflag:s0], s1  }
0x5e: {  	s1 =	ssub.s32 @!p0 $0x0, s1;
	[sflag:s0] =	ssyncset.done @!p0 $0x0  }
0x5f: {  	[sflag:s0] =	ssyncadd.s32 @!p0 s1  }
0x60: {  	[bflag:$0x3] =	sbarrier.arrive $0xFFFF  }
0x61: {  	_ =	shalt  }

</sc_bundles>
